<compile_context>
chip_gen: v7x
topology: tpu7x:2x2x1
jax: 0.10.2.dev20260603
libtpu: 0.0.44.dev20260713+nightly
codegen_flags: <defaults>
</compile_context>

<pallas_src>
import functools

import jax
import jax.numpy as jnp
from jax import lax
from jax.experimental import pallas as pl
from jax.experimental.pallas import tpu as pltpu
from jax.experimental.pallas import tpu_sc as plsc

_NC = 2
_NS = 16
_NW = _NC * _NS
_CHB = 2048


def _sc_unpack(idx_flat):
    n = idx_flat.shape[0]
    per_w = n // _NW
    n_chunks = per_w // _CHB
    mesh = plsc.VectorSubcoreMesh(core_axis_name="c", subcore_axis_name="s")

    @functools.partial(
        pl.kernel,
        mesh=mesh,
        out_type=jax.ShapeDtypeStruct((n * 8,), jnp.float32),
        compiler_params=pltpu.CompilerParams(needs_layout_passes=False),
        scratch_types=[
            pltpu.VMEM((_CHB,), jnp.int32),
            pltpu.VMEM((_CHB * 8,), jnp.float32),
        ],
    )
    def k(idx_hbm, out_hbm, bytes_v, flat_v):
        wid = lax.axis_index("s") * _NC + lax.axis_index("c")
        base = wid * per_w
        iota = lax.broadcasted_iota(jnp.int32, (16,), 0)
        lane_byte = iota >> 3
        shamt = 7 - (iota & 7)

        def chunk(i, carry):
            off = base + i * _CHB
            pltpu.sync_copy(idx_hbm.at[pl.ds(off, _CHB)], bytes_v)

            def vloop(p, c2):
                vals = plsc.load_gather(bytes_v, [2 * p + lane_byte])
                bits = (vals >> shamt) & 1
                flat_v[pl.ds(16 * p, 16)] = bits.astype(jnp.float32)
                return c2

            lax.fori_loop(0, _CHB * 8 // 16, vloop, 0, unroll=8)
            pltpu.sync_copy(flat_v, out_hbm.at[pl.ds(off * 8, _CHB * 8)])
            return carry

        lax.fori_loop(0, n_chunks, chunk, 0)

    return k(idx_flat)


@jax.jit
def kernel(visual, lookup):
    del lookup
    B, D = visual.shape
    out = _sc_unpack(visual.reshape(-1))
    return out.reshape(B, D * 8)

# --- scband reference (transcript-rebuilt; emitter-appended) ---
"""Pipeline reference for scband-visual-feature-embedder-78709570667430 (READ-ONLY COPY).

The authoritative reference and input builder live on the scoring server;
editing this copy changes nothing except your own understanding.
"""

import jax, jax.numpy as jnp
import numpy as np


def get_lookup8_numpy():
    out = np.unpackbits(np.arange(0, 256, dtype=np.uint8)).reshape(256, 8)
    return out


def setup_inputs(seed: int = 0) -> dict:
    key = jax.random.key(seed)
    visual = jax.random.randint(key, (16384, 256), 0, 256, dtype=jnp.int32)
    lookup = jnp.asarray(get_lookup8_numpy(), dtype=jnp.float32)  # (256, 8) buffer
    return {"visual": visual, "lookup": lookup}


def reference(visual, lookup):
    # visual_bytes_to_float for 2-D input: gather rows of the (256, 8) bit-lookup
    # table and flatten the trailing dims: (B, D) uint8 -> (B, D*8) float32.
    emb = jnp.take(lookup, visual.astype(jnp.int32), axis=0)  # (B, D, 8)
    return emb.reshape(visual.shape[0], visual.shape[1] * 8)

if __name__ == "__main__":
    import jax
    _d = setup_inputs()
    print(jax.jit(kernel)(*tuple(_d.values())))

</pallas_src>

<mosaic_0001>
#map = affine_map<(d0, d1) -> (0)>
module attributes {stable_mosaic.version = 14 : i64} {
  func.func @k(%arg0: i32, %arg1: i32, %arg2: memref<4194304xi32, #tpu.memory_space<hbm>>, %arg3: memref<33554432xf32, #tpu.memory_space<hbm>>, %arg4: memref<2048xi32, #tpu.memory_space<vmem>>, %arg5: memref<16384xf32, #tpu.memory_space<vmem>>) attributes {dimension_semantics = [#tpu.dimension_semantics<core_parallel>, #tpu.dimension_semantics<subcore_parallel>], iteration_bounds = array<i64: 2, 16>, scalar_prefetch = 0 : i64, scratch_operands = 2 : i64, tpu.core_type = #tpu.core_type<sc_vector_subcore>, window_params = [{transform_indices = #map}, {transform_indices = #map}]} {
    %mul3A = arith.constant 2 : i32
    %mul3A_0 = arith.muli %arg1, %mul3A : i32
    %add3A = arith.addi %mul3A_0, %arg0 : i32
    %mul3A_1 = arith.constant 131072 : i32
    %mul3A_2 = arith.muli %add3A, %mul3A_1 : i32
    %iota3A = tpu.iota {dimensions = array<i32: 0>} : vector<16xi32>
    %shift_right_arithmetic3A = arith.constant 3 : i32
    %shift_right_arithmetic3A_3 = vector.broadcast %shift_right_arithmetic3A : i32 to vector<16xi32>
    %shift_right_arithmetic3A_4 = arith.shrsi %iota3A, %shift_right_arithmetic3A_3 : vector<16xi32>
    %and3A = arith.constant 7 : i32
    %and3A_5 = vector.broadcast %and3A : i32 to vector<16xi32>
    %and3A_6 = arith.andi %iota3A, %and3A_5 : vector<16xi32>
    %sub3A = arith.constant 7 : i32
    %sub3A_7 = vector.broadcast %sub3A : i32 to vector<16xi32>
    %sub3A_8 = arith.subi %sub3A_7, %and3A_6 : vector<16xi32>
    %scan3A = arith.constant 0 : i32
    %scan3A_9 = arith.constant 0 : i32
    %scan3A_10 = arith.constant 64 : i32
    %scan3A_11 = arith.addi %scan3A_9, %scan3A_10 : i32
    %scan3A_12 = arith.constant 1 : i32
    scf.for %scan3A_14 = %scan3A_9 to %scan3A_11 step %scan3A_12  : i32 {
      %mul3A_15 = arith.constant 2048 : i32
      %mul3A_16 = arith.muli %scan3A_14, %mul3A_15 : i32
      %add3A_17 = arith.addi %mul3A_2, %mul3A_16 : i32
      "tpu.region"() ({
        %run_scoped3A = tpu.sem_alloc : memref<!tpu.dma_semaphore, #tpu.memory_space<semaphore_mem>>
        %dma_start3A = tpu.memref_slice %arg2[%add3A_17] : memref<4194304xi32, #tpu.memory_space<hbm>> -> memref<2048xi32, #tpu.memory_space<hbm>>
        %dma_start3A_26 = tpu.memref_slice %arg2[%add3A_17] : memref<4194304xi32, #tpu.memory_space<hbm>> -> memref<2048xi32, #tpu.memory_space<hbm>>
        tpu.enqueue_dma source(%dma_start3A_26 : memref<2048xi32, #tpu.memory_space<hbm>>) target(%arg4 : memref<2048xi32, #tpu.memory_space<vmem>>) target_semaphore(%run_scoped3A : memref<!tpu.dma_semaphore, #tpu.memory_space<semaphore_mem>>)
        %dma_wait3A = tpu.memref_slice %arg2[%add3A_17] : memref<4194304xi32, #tpu.memory_space<hbm>> -> memref<2048xi32, #tpu.memory_space<hbm>>
        %dma_wait3A_27 = tpu.memref_slice %arg2[%add3A_17] : memref<4194304xi32, #tpu.memory_space<hbm>> -> memref<2048xi32, #tpu.memory_space<hbm>>
        tpu.wait_dma2 semaphore(%run_scoped3A : memref<!tpu.dma_semaphore, #tpu.memory_space<semaphore_mem>>) src(%dma_wait3A_27 : memref<2048xi32, #tpu.memory_space<hbm>>) dst(%arg4 : memref<2048xi32, #tpu.memory_space<vmem>>)
        tpu.yield
      }) : () -> ()
      %scan3A_18 = arith.constant 0 : i32
      %scan3A_19 = arith.constant 0 : i32
      %scan3A_20 = arith.constant 1024 : i32
      %scan3A_21 = arith.addi %scan3A_19, %scan3A_20 : i32
      %scan3A_22 = arith.constant 8 : i32
      scf.for %scan3A_26 = %scan3A_19 to %scan3A_21 step %scan3A_22  : i32 {
        %mul3A_27 = arith.constant 2 : i32
        %mul3A_28 = arith.muli %mul3A_27, %scan3A_26 : i32
        %add3A_29 = vector.broadcast %mul3A_28 : i32 to vector<16xi32>
        %add3A_30 = arith.addi %add3A_29, %shift_right_arithmetic3A_4 : vector<16xi32>
        %gather3A = tpu.vector_load_idx %arg4[%add3A_30] : memref<2048xi32, #tpu.memory_space<vmem>>[vector<16xi32>], vector<16xi32>,
        %shift_right_arithmetic3A_31 = arith.shrsi %gather3A, %sub3A_8 : vector<16xi32>
        %and3A_32 = arith.constant 1 : i32
        %and3A_33 = vector.broadcast %and3A_32 : i32 to vector<16xi32>
        %and3A_34 = arith.andi %shift_right_arithmetic3A_31, %and3A_33 : vector<16xi32>
        %convert_element_type3A = arith.sitofp %and3A_34 : vector<16xi32> to vector<16xf32>
        %mul3A_35 = arith.constant 16 : i32
        %mul3A_36 = arith.muli %mul3A_35, %scan3A_26 : i32
        %swap3A = arith.index_cast %mul3A_36 : i32 to index
        %swap3A_37 = tpu.vector_load %arg5[%swap3A] {strides = array<i32>} : memref<16384xf32, #tpu.memory_space<vmem>>, vector<16xf32>,
        tpu.vector_store %arg5[%swap3A], %convert_element_type3A {strides = array<i32>} : memref<16384xf32, #tpu.memory_space<vmem>>, vector<16xf32>,
        %scan3A_38 = arith.constant 1 : i32
        %scan3A_39 = arith.addi %scan3A_26, %scan3A_38 : i32
        %mul3A_40 = arith.constant 2 : i32
        %mul3A_41 = arith.muli %mul3A_40, %scan3A_39 : i32
        %add3A_42 = vector.broadcast %mul3A_41 : i32 to vector<16xi32>
        %add3A_43 = arith.addi %add3A_42, %shift_right_arithmetic3A_4 : vector<16xi32>
        %gather3A_44 = tpu.vector_load_idx %arg4[%add3A_43] : memref<2048xi32, #tpu.memory_space<vmem>>[vector<16xi32>], vector<16xi32>,
        %shift_right_arithmetic3A_45 = arith.shrsi %gather3A_44, %sub3A_8 : vector<16xi32>
        %and3A_46 = arith.constant 1 : i32
        %and3A_47 = vector.broadcast %and3A_46 : i32 to vector<16xi32>
        %and3A_48 = arith.andi %shift_right_arithmetic3A_45, %and3A_47 : vector<16xi32>
        %convert_element_type3A_49 = arith.sitofp %and3A_48 : vector<16xi32> to vector<16xf32>
        %mul3A_50 = arith.constant 16 : i32
        %mul3A_51 = arith.muli %mul3A_50, %scan3A_39 : i32
        %swap3A_52 = arith.index_cast %mul3A_51 : i32 to index
        %swap3A_53 = tpu.vector_load %arg5[%swap3A_52] {strides = array<i32>} : memref<16384xf32, #tpu.memory_space<vmem>>, vector<16xf32>,
        tpu.vector_store %arg5[%swap3A_52], %convert_element_type3A_49 {strides = array<i32>} : memref<16384xf32, #tpu.memory_space<vmem>>, vector<16xf32>,
        %scan3A_54 = arith.constant 2 : i32
        %scan3A_55 = arith.addi %scan3A_26, %scan3A_54 : i32
        %mul3A_56 = arith.constant 2 : i32
        %mul3A_57 = arith.muli %mul3A_56, %scan3A_55 : i32
        %add3A_58 = vector.broadcast %mul3A_57 : i32 to vector<16xi32>
        %add3A_59 = arith.addi %add3A_58, %shift_right_arithmetic3A_4 : vector<16xi32>
        %gather3A_60 = tpu.vector_load_idx %arg4[%add3A_59] : memref<2048xi32, #tpu.memory_space<vmem>>[vector<16xi32>], vector<16xi32>,
        %shift_right_arithmetic3A_61 = arith.shrsi %gather3A_60, %sub3A_8 : vector<16xi32>
        %and3A_62 = arith.constant 1 : i32
        %and3A_63 = vector.broadcast %and3A_62 : i32 to vector<16xi32>
        %and3A_64 = arith.andi %shift_right_arithmetic3A_61, %and3A_63 : vector<16xi32>
        %convert_element_type3A_65 = arith.sitofp %and3A_64 : vector<16xi32> to vector<16xf32>
        %mul3A_66 = arith.constant 16 : i32
        %mul3A_67 = arith.muli %mul3A_66, %scan3A_55 : i32
        %swap3A_68 = arith.index_cast %mul3A_67 : i32 to index
        %swap3A_69 = tpu.vector_load %arg5[%swap3A_68] {strides = array<i32>} : memref<16384xf32, #tpu.memory_space<vmem>>, vector<16xf32>,
        tpu.vector_store %arg5[%swap3A_68], %convert_element_type3A_65 {strides = array<i32>} : memref<16384xf32, #tpu.memory_space<vmem>>, vector<16xf32>,
        %scan3A_70 = arith.constant 3 : i32
        %scan3A_71 = arith.addi %scan3A_26, %scan3A_70 : i32
        %mul3A_72 = arith.constant 2 : i32
        %mul3A_73 = arith.muli %mul3A_72, %scan3A_71 : i32
        %add3A_74 = vector.broadcast %mul3A_73 : i32 to vector<16xi32>
        %add3A_75 = arith.addi %add3A_74, %shift_right_arithmetic3A_4 : vector<16xi32>
        %gather3A_76 = tpu.vector_load_idx %arg4[%add3A_75] : memref<2048xi32, #tpu.memory_space<vmem>>[vector<16xi32>], vector<16xi32>,
        %shift_right_arithmetic3A_77 = arith.shrsi %gather3A_76, %sub3A_8 : vector<16xi32>
        %and3A_78 = arith.constant 1 : i32
        %and3A_79 = vector.broadcast %and3A_78 : i32 to vector<16xi32>
        %and3A_80 = arith.andi %shift_right_arithmetic3A_77, %and3A_79 : vector<16xi32>
        %convert_element_type3A_81 = arith.sitofp %and3A_80 : vector<16xi32> to vector<16xf32>
        %mul3A_82 = arith.constant 16 : i32
        %mul3A_83 = arith.muli %mul3A_82, %scan3A_71 : i32
        %swap3A_84 = arith.index_cast %mul3A_83 : i32 to index
        %swap3A_85 = tpu.vector_load %arg5[%swap3A_84] {strides = array<i32>} : memref<16384xf32, #tpu.memory_space<vmem>>, vector<16xf32>,
        tpu.vector_store %arg5[%swap3A_84], %convert_element_type3A_81 {strides = array<i32>} : memref<16384xf32, #tpu.memory_space<vmem>>, vector<16xf32>,
        %scan3A_86 = arith.constant 4 : i32
        %scan3A_87 = arith.addi %scan3A_26, %scan3A_86 : i32
        %mul3A_88 = arith.constant 2 : i32
        %mul3A_89 = arith.muli %mul3A_88, %scan3A_87 : i32
        %add3A_90 = vector.broadcast %mul3A_89 : i32 to vector<16xi32>
        %add3A_91 = arith.addi %add3A_90, %shift_right_arithmetic3A_4 : vector<16xi32>
        %gather3A_92 = tpu.vector_load_idx %arg4[%add3A_91] : memref<2048xi32, #tpu.memory_space<vmem>>[vector<16xi32>], vector<16xi32>,
        %shift_right_arithmetic3A_93 = arith.shrsi %gather3A_92, %sub3A_8 : vector<16xi32>
        %and3A_94 = arith.constant 1 : i32
        %and3A_95 = vector.broadcast %and3A_94 : i32 to vector<16xi32>
        %and3A_96 = arith.andi %shift_right_arithmetic3A_93, %and3A_95 : vector<16xi32>
        %convert_element_type3A_97 = arith.sitofp %and3A_96 : vector<16xi32> to vector<16xf32>
        %mul3A_98 = arith.constant 16 : i32
        %mul3A_99 = arith.muli %mul3A_98, %scan3A_87 : i32
        %swap3A_100 = arith.index_cast %mul3A_99 : i32 to index
        %swap3A_101 = tpu.vector_load %arg5[%swap3A_100] {strides = array<i32>} : memref<16384xf32, #tpu.memory_space<vmem>>, vector<16xf32>,
        tpu.vector_store %arg5[%swap3A_100], %convert_element_type3A_97 {strides = array<i32>} : memref<16384xf32, #tpu.memory_space<vmem>>, vector<16xf32>,
        %scan3A_102 = arith.constant 5 : i32
        %scan3A_103 = arith.addi %scan3A_26, %scan3A_102 : i32
        %mul3A_104 = arith.constant 2 : i32
        %mul3A_105 = arith.muli %mul3A_104, %scan3A_103 : i32
        %add3A_106 = vector.broadcast %mul3A_105 : i32 to vector<16xi32>
        %add3A_107 = arith.addi %add3A_106, %shift_right_arithmetic3A_4 : vector<16xi32>
        %gather3A_108 = tpu.vector_load_idx %arg4[%add3A_107] : memref<2048xi32, #tpu.memory_space<vmem>>[vector<16xi32>], vector<16xi32>,
        %shift_right_arithmetic3A_109 = arith.shrsi %gather3A_108, %sub3A_8 : vector<16xi32>
        %and3A_110 = arith.constant 1 : i32
        %and3A_111 = vector.broadcast %and3A_110 : i32 to vector<16xi32>
        %and3A_112 = arith.andi %shift_right_arithmetic3A_109, %and3A_111 : vector<16xi32>
        %convert_element_type3A_113 = arith.sitofp %and3A_112 : vector<16xi32> to vector<16xf32>
        %mul3A_114 = arith.constant 16 : i32
        %mul3A_115 = arith.muli %mul3A_114, %scan3A_103 : i32
        %swap3A_116 = arith.index_cast %mul3A_115 : i32 to index
        %swap3A_117 = tpu.vector_load %arg5[%swap3A_116] {strides = array<i32>} : memref<16384xf32, #tpu.memory_space<vmem>>, vector<16xf32>,
        tpu.vector_store %arg5[%swap3A_116], %convert_element_type3A_113 {strides = array<i32>} : memref<16384xf32, #tpu.memory_space<vmem>>, vector<16xf32>,
        %scan3A_118 = arith.constant 6 : i32
        %scan3A_119 = arith.addi %scan3A_26, %scan3A_118 : i32
        %mul3A_120 = arith.constant 2 : i32
        %mul3A_121 = arith.muli %mul3A_120, %scan3A_119 : i32
        %add3A_122 = vector.broadcast %mul3A_121 : i32 to vector<16xi32>
        %add3A_123 = arith.addi %add3A_122, %shift_right_arithmetic3A_4 : vector<16xi32>
        %gather3A_124 = tpu.vector_load_idx %arg4[%add3A_123] : memref<2048xi32, #tpu.memory_space<vmem>>[vector<16xi32>], vector<16xi32>,
        %shift_right_arithmetic3A_125 = arith.shrsi %gather3A_124, %sub3A_8 : vector<16xi32>
        %and3A_126 = arith.constant 1 : i32
        %and3A_127 = vector.broadcast %and3A_126 : i32 to vector<16xi32>
        %and3A_128 = arith.andi %shift_right_arithmetic3A_125, %and3A_127 : vector<16xi32>
        %convert_element_type3A_129 = arith.sitofp %and3A_128 : vector<16xi32> to vector<16xf32>
        %mul3A_130 = arith.constant 16 : i32
        %mul3A_131 = arith.muli %mul3A_130, %scan3A_119 : i32
        %swap3A_132 = arith.index_cast %mul3A_131 : i32 to index
        %swap3A_133 = tpu.vector_load %arg5[%swap3A_132] {strides = array<i32>} : memref<16384xf32, #tpu.memory_space<vmem>>, vector<16xf32>,
        tpu.vector_store %arg5[%swap3A_132], %convert_element_type3A_129 {strides = array<i32>} : memref<16384xf32, #tpu.memory_space<vmem>>, vector<16xf32>,
        %scan3A_134 = arith.constant 7 : i32
        %scan3A_135 = arith.addi %scan3A_26, %scan3A_134 : i32
        %mul3A_136 = arith.constant 2 : i32
        %mul3A_137 = arith.muli %mul3A_136, %scan3A_135 : i32
        %add3A_138 = vector.broadcast %mul3A_137 : i32 to vector<16xi32>
        %add3A_139 = arith.addi %add3A_138, %shift_right_arithmetic3A_4 : vector<16xi32>
        %gather3A_140 = tpu.vector_load_idx %arg4[%add3A_139] : memref<2048xi32, #tpu.memory_space<vmem>>[vector<16xi32>], vector<16xi32>,
        %shift_right_arithmetic3A_141 = arith.shrsi %gather3A_140, %sub3A_8 : vector<16xi32>
        %and3A_142 = arith.constant 1 : i32
        %and3A_143 = vector.broadcast %and3A_142 : i32 to vector<16xi32>
        %and3A_144 = arith.andi %shift_right_arithmetic3A_141, %and3A_143 : vector<16xi32>
        %convert_element_type3A_145 = arith.sitofp %and3A_144 : vector<16xi32> to vector<16xf32>
        %mul3A_146 = arith.constant 16 : i32
        %mul3A_147 = arith.muli %mul3A_146, %scan3A_135 : i32
        %swap3A_148 = arith.index_cast %mul3A_147 : i32 to index
        %swap3A_149 = tpu.vector_load %arg5[%swap3A_148] {strides = array<i32>} : memref<16384xf32, #tpu.memory_space<vmem>>, vector<16xf32>,
        tpu.vector_store %arg5[%swap3A_148], %convert_element_type3A_145 {strides = array<i32>} : memref<16384xf32, #tpu.memory_space<vmem>>, vector<16xf32>,
      }
      %scan3A_23 = arith.constant 1024 : i32
      %mul3A_24 = arith.constant 8 : i32
      %mul3A_25 = arith.muli %add3A_17, %mul3A_24 : i32
      "tpu.region"() ({
        %run_scoped3A = tpu.sem_alloc : memref<!tpu.dma_semaphore, #tpu.memory_space<semaphore_mem>>
        %dma_start3A = tpu.memref_slice %arg3[%mul3A_25] : memref<33554432xf32, #tpu.memory_space<hbm>> -> memref<16384xf32, #tpu.memory_space<hbm>>
        %dma_start3A_26 = tpu.memref_slice %arg3[%mul3A_25] : memref<33554432xf32, #tpu.memory_space<hbm>> -> memref<16384xf32, #tpu.memory_space<hbm>>
        tpu.enqueue_dma source(%arg5 : memref<16384xf32, #tpu.memory_space<vmem>>) target(%dma_start3A_26 : memref<16384xf32, #tpu.memory_space<hbm>>) target_semaphore(%run_scoped3A : memref<!tpu.dma_semaphore, #tpu.memory_space<semaphore_mem>>)
        %dma_wait3A = tpu.memref_slice %arg3[%mul3A_25] : memref<33554432xf32, #tpu.memory_space<hbm>> -> memref<16384xf32, #tpu.memory_space<hbm>>
        %dma_wait3A_27 = tpu.memref_slice %arg3[%mul3A_25] : memref<33554432xf32, #tpu.memory_space<hbm>> -> memref<16384xf32, #tpu.memory_space<hbm>>
        tpu.wait_dma2 semaphore(%run_scoped3A : memref<!tpu.dma_semaphore, #tpu.memory_space<semaphore_mem>>) src(%arg5 : memref<16384xf32, #tpu.memory_space<vmem>>) dst(%dma_wait3A_27 : memref<16384xf32, #tpu.memory_space<hbm>>)
        tpu.yield
      }) : () -> ()
    }
    %scan3A_13 = arith.constant 64 : i32
    return
  }
}

</mosaic_0001>

<sc_bundles>
// kernel: kernel.3.cloned.1.call-start
scs
__scs_entry_jumppad:
0x0: {  	(pc) =	sbr.rel $0x88, $3  }
0x1: {  	(tag) =	ssettag $0x0;
	lr =	simm.s32 $0x1  }
0x2: {  	[smem:$0x3FA0] =	sst lr;
	_ =	strace $0xD0000000  }
0x3: {  	_ = 	snop  }
0x4: {  	_ = 	snop  }
0x5: {  	_ = 	snop  }
0x6: {  	_ = 	snop  }
0x7: {  	_ = 	snop  }
__scs_overlays_trampoline_lowered:
0x8: {  	[smem:$0x3FAF] =	sst s0  }
0x9: {  	[smem:$0x3FB0] =	sst s1  }
0xa: {  	[smem:$0x3FB1] =	sst s2  }
0xb: {  	[smem:$0x3FB2] =	sst s3  }
0xc: {  	[smem:$0x3FB3] =	sst s4  }
0xd: {  	[smem:$0x3FB4] =	sst s5  }
0xe: {  	[smem:$0x3FB5] =	sst s6  }
0xf: {  	[smem:$0x3FB6] =	sst s7  }
0x10: {  	[smem:$0x3FB7] =	sst s8  }
0x11: {  	[smem:$0x3FB8] =	sst s9;
	s0 =	simm.s32 @!p0 $0x0  }
0x12: {  	s1 =	sld [smem:$0x3F9E];
	s0 =	simm.s32 @p0 $0x1  }
0x13: {  	[smem:$0x3FB9] =	sst s0;
	s0 =	simm.s32 @!p1 $0x0  }
0x14: {  	s2 =	sld [smem:$0x3F9D];
	s0 =	simm.s32 @p1 $0x1  }
0x15: {  	[smem:$0x3FBA] =	sst s0;
	s0 =	simm.s32 @!p2 $0x0  }
0x16: {  	s3 =	sld [smem:$0x3FDB];
	s0 =	simm.s32 @p2 $0x1  }
0x17: {  	s4 =	simm.s32 $0x1BF5;
	[smem:$0x3FBC] =	sst s0  }
0x18: {  	s0 =	sld [smem:$0x3F9F];
	_ =	swait.ge [sflag:s4], $0x0  }
0x19: {  	s7 =	sld [smem:$0x3FA0]  }
0x1a: {  	s8 =	sadd.s32 $0xFFFFE003, lr  }
0x1b: {  	s9 =	sadd.s32 $0xFFFFFEF7, lr;
	s5 =	simm.s32 $0xFFFFFFFF;
	p2 =	slt.u32 s8, $0xFFFFF086  }
0x1c: {  	p1 =	slt.u32 s9, $0xF7A;
	s5 =	simm.s32 @!p2 $0x0  }
0x1d: {  	s5 =	simm.s32 @p1 $0x1;
	p0 =	seq.s32 s7, s2  }
0x1e: {  	s7 =	smul.u32 @!p0 $0xF7A, s2;
	p2 =	seq.s32 @!p0 s5, $0x0  }
0x1f: {  	s9 =	smul.u32 $0xF7A, s1;
	s8 =	simm.s32 @!p0 $0x1BF5;
	p2 =	por !p2, p0  }
0x20: {  	[sflag:s8] =	ssyncset.s32 @!p0 $0xFFFFF086;
	s6 =	sadd.s32 @!p0 s3, s7;
	s7 =	simm.s32 @!p0 $0x108  }
0x21: {  	s3 =	sadd.s32 s3, s9;
	s6 =	sadd.s32 @!p0 $0x88, s6;
	s7 =	simm.s32 @p2 $0x1082  }
0x22: {  	[simem:s7], [sflag:s8] =	dma.local @!p0 [hbm:s6], $0xF7A  }
0x23: {  	s9 =	sor.u32 $0xD0000000, s2;
	s6 =	simm.s32 $0x108;
	_ =	swait.ge @!p0 [sflag:s8], $0x0  }
0x24: {  	s3 =	sadd.s32 $0x88, s3;
	s6 =	simm.s32 @!p1 $0x1082;
	[sflag:s4] =	ssyncset.s32 $0xFFFFF086  }
0x25: {  	[simem:s6], [sflag:s4] =	dma.local [hbm:s3], $0xF7A  }
0x26: {  	[smem:$0x3FA0] =	sst s1;
	(tag) =	ssettag s2;
	_ =	strace s9  }
0x27: {  	s1 =	sld [smem:$0x3FB0]  }
0x28: {  	s2 =	sld [smem:$0x3FB1]  }
0x29: {  	s4 =	sld [smem:$0x3FB3]  }
0x2a: {  	p0 =	seq.s32 s5, $0x0;
	s5 =	sld [smem:$0x3FB4]  }
0x2b: {  	s6 =	sld [smem:$0x3FB5]  }
0x2c: {  	s7 =	sld [smem:$0x3FB6]  }
0x2d: {  	s3 =	simm.s32 $0x108;
	s8 =	sld [smem:$0x3FB7]  }
0x2e: {  	s3 =	simm.s32 @!p0 $0x1082;
	s9 =	sld [smem:$0x3FB8]  }
0x2f: {  	lr =	sadd.s32 s0, s3;
	s0 =	sld [smem:$0x3FAF]  }
0x30: {  	s3 =	sld [smem:$0x3FB2]  }
0x31: {  	[smem:$0x3FBB] =	sst s10  }
0x32: {  	s10 =	sld [smem:$0x3FB9];
	_ =	sdelay $0x3  }
0x33: {  	p0 =	seq.s32 s10, $0x1;
	s10 =	sld [smem:$0x3FBB];
	_ =	sdelay $0x3  }
0x34: {  	[smem:$0x3FBB] =	sst s10  }
0x35: {  	s10 =	sld [smem:$0x3FBA];
	_ =	sdelay $0x3  }
0x36: {  	p1 =	seq.s32 s10, $0x1;
	s10 =	sld [smem:$0x3FBB];
	_ =	sdelay $0x3  }
0x37: {  	[smem:$0x3FBB] =	sst s10  }
0x38: {  	s10 =	sld [smem:$0x3FBC]  }
0x39: {  	_ = 	snop;
	(pc) =	sbr.ind lr, $3  }
0x3a: {  	_ = 	snop  }
0x3b: {  	_ = 	snop  }
0x3c: {  	p2 =	seq.s32 s10, $0x1;
	s10 =	sld [smem:$0x3FBB]  }
0x3d: {  	_ =	shalt  }
0x3e: {  	_ =	shalt  }
0x3f: {  	_ =	shalt  }
0x40: {  	_ =	shalt  }
0x41: {  	_ =	shalt  }
0x42: {  	_ =	shalt  }
0x43: {  	_ =	shalt  }
0x44: {  	_ =	shalt  }
0x45: {  	_ =	shalt  }
0x46: {  	_ =	shalt  }
0x47: {  	_ =	shalt  }
0x48: {  	_ =	shalt  }
0x49: {  	_ =	shalt  }
0x4a: {  	_ =	shalt  }
0x4b: {  	_ =	shalt  }
0x4c: {  	_ =	shalt  }
0x4d: {  	_ =	shalt  }
0x4e: {  	_ =	shalt  }
0x4f: {  	_ =	shalt  }
0x50: {  	_ =	shalt  }
0x51: {  	_ =	shalt  }
0x52: {  	_ =	shalt  }
0x53: {  	_ =	shalt  }
0x54: {  	_ =	shalt  }
0x55: {  	_ =	shalt  }
0x56: {  	_ =	shalt  }
0x57: {  	_ =	shalt  }
0x58: {  	_ =	shalt  }
0x59: {  	_ =	shalt  }
0x5a: {  	_ =	shalt  }
0x5b: {  	_ =	shalt  }
0x5c: {  	_ =	shalt  }
0x5d: {  	_ =	shalt  }
0x5e: {  	_ =	shalt  }
0x5f: {  	_ =	shalt  }
0x60: {  	_ =	shalt  }
0x61: {  	_ =	shalt  }
0x62: {  	_ =	shalt  }
0x63: {  	_ =	shalt  }
0x64: {  	_ =	shalt  }
0x65: {  	_ =	shalt  }
0x66: {  	_ =	shalt  }
0x67: {  	_ =	shalt  }
0x68: {  	_ =	shalt  }
0x69: {  	_ =	shalt  }
0x6a: {  	_ =	shalt  }
0x6b: {  	_ =	shalt  }
0x6c: {  	_ =	shalt  }
0x6d: {  	_ =	shalt  }
0x6e: {  	_ =	shalt  }
0x6f: {  	_ =	shalt  }
0x70: {  	_ =	shalt  }
0x71: {  	_ =	shalt  }
0x72: {  	_ =	shalt  }
0x73: {  	_ =	shalt  }
0x74: {  	_ =	shalt  }
0x75: {  	_ =	shalt  }
0x76: {  	_ =	shalt  }
0x77: {  	_ =	shalt  }
0x78: {  	_ =	shalt  }
0x79: {  	_ =	shalt  }
0x7a: {  	_ =	shalt  }
0x7b: {  	_ =	shalt  }
0x7c: {  	_ =	shalt  }
0x7d: {  	_ =	shalt  }
0x7e: {  	_ =	shalt  }
0x7f: {  	_ =	shalt  }
0x80: {  	_ =	shalt  }
0x81: {  	_ =	shalt  }
0x82: {  	_ =	shalt  }
0x83: {  	_ =	shalt  }
0x84: {  	_ =	shalt  }
0x85: {  	_ =	shalt  }
0x86: {  	_ =	shalt  }
0x87: {  	_ =	shalt  }
.Lfunc_end0:
.L_simem_size_0:
called_computation_lowered:
.L_overlay_start_0:
0x88: {  	s2 =	sld [smem:$0x3FD9]  }
0x89: {  	s3 =	sld [smem:$0x3FFE];
	_ =	sdelay $0x1  }
0x8a: {  	s1 =	srdreg.scid  }
0x8b: {  	s0 =	sand.u32 $0x1, s1  }
0x8c: {  	s17 =	sshll.u32 s0, $0xA;
	s2 =	sadd.s32 s3, s2  }
0x8d: {  	s2 =	sadd.s32 s2, s17  }
0x8e: {  	[smem:$0x3FC7] =	sst s2  }
0x8f: {  	_ = 	snop  }
0x90: {  	s2 =	sld [smem:$0x3FD0];
	(tm) =	ssettm $0x1  }
0x91: {  	s18 =	sld [smem:$0x3FFB];
	_ =	sdelay $0x3  }
0x92: {  	_ =	strace s18  }
0x93: {  	s3 =	sld [smem:$0x3FFC];
	_ =	sdelay $0x3  }
0x94: {  	_ =	strace s3  }
0x95: {  	s3 =	sld [smem:$0x3FFD];
	_ =	sdelay $0x3  }
0x96: {  	_ =	strace s3  }
0x97: {  	_ =	strace $0x8FFFFFFF  }
0x98: {  	s19 =	sld [smem:$0x3FDB];
	_ =	sdelay $0x1  }
0x99: {  	s4 =	simm.s32 $_scs_section_size  }
0x9a: {  	s5 =	simm.s32 $_size__tile_overlayer_lowered;
	s6 =	simm.s32 $_tile_overlayer_lowered  }
0x9b: {  	s22 =	simm.s32 $0x1BFF;
	s21 =	sshll.u32 s6, $0x1;
	s3 =	sadd.s32 s4, s19  }
0x9c: {  	s7 =	simm.s32 $0x0;
	s20 =	sshll.u32 s5, $0x1;
	s5 =	sadd.s32 s21, s3  }
0x9d: {  	[timem:s7], [sflag:s22] =	dma.local [hbm:s5], s20  }
0x9e: {  	_ =	swait.ge [sflag:s22], s20  }
0x9f: {  	s4 =	ssub.s32 $0x0, s20;
	[sflag:s22] =	ssyncset.done $0x0  }
0xa0: {  	[sflag:s22] =	ssyncadd.s32 s4;
	_ =	sdelay $0x1  }
0xa1: {  	s23 =	simm.s32 $0x1B8B  }
0xa2: {  	_ =	swait.ge [sflag:s23], $0x1  }
0xa3: {  	[sflag:s23] =	ssyncset.done $0x0  }
0xa4: {  	s25 =	simm.s32 $0x1B8E;
	s24 =	sld [smem:$0x3FFE];
	[sflag:s23] =	ssyncadd.s32 $0xFFFFFFFF  }
0xa5: {  	s26 =	simm.s32 $execute0_lowered;
	[smem:$0x3FD2] =	sst s25  }
0xa6: {  	s5 =	sshll.u32 s26, $0x1;
	_ =	strace $0x80000046;
	[dreg:$0x1] =	wrdreg $0xFFFFFFFF  }
0xa7: {  	s28 =	simm.s32 $_size_execute0_lowered;
	s3 =	sadd.s32 s3, s5;
	[dreg:$0x0] =	wrdreg $0x0  }
0xa8: {  	s5 =	sshll.u32 s28, $0x1;
	[dreg:$0x2] =	wrdreg s3  }
0xa9: {  	[dreg:$0x3] =	wrdreg s5  }
0xaa: {  	[dreg:$0x4] =	wrdreg $0xC0  }
0xab: {  	_ =	task [dreg:s7], $0x5FFFF  }
0xac: {  	[dreg:$0x1] =	wrdreg $0xFFFFFFFF  }
0xad: {  	[dreg:$0x0] =	wrdreg $0x60  }
0xae: {  	[dreg:$0x2] =	wrdreg s2  }
0xaf: {  	[dreg:$0x3] =	wrdreg s24  }
0xb0: {  	[dreg:$0x4] =	wrdreg $0x9  }
0xb1: {  	_ =	task.clear_ibuf [dreg:s7], $0x5FFFF;
	_ =	strace $0x90000046  }
0xb2: {  	s29 =	simm.s32 $0x9;
	_ =	strace $0x80000048  }
0xb3: {  	_ =	swait.ge [sflag:s29], $0x1  }
0xb4: {  	[sflag:s29] =	ssyncadd.s32 $0xFFFFFFFF  }
0xb5: {  	_ =	strace $0x90000048  }
0xb6: {  	_ =	sfence  }
0xb7: {  	s30 =	sld [smem:$0x0];
	_ =	sdelay $0x2  }
0xb8: {  	s31 =	sshll.u32 s1, $0xD;
	s1 =	sshrl.u32 s1, $0x2  }
0xb9: {  	s3 =	sand.u32 $0x4000, s31;
	s1 =	sadd.s32 s1, s30  }
0xba: {  	s0 =	sor.u32 s3, s0;
	s1 =	sshll.u32 s1, $0x11  }
0xbb: {  	s0 =	sor.u32 s1, s0  }
0xbc: {  	s0 =	sadd.s32 $0x8F2B, s0  }
0xbd: {  	[sflag:s0] =	ssyncadd.remote.s32 $0x1  }
0xbe: {  	_ =	sfence.sel $0xFFFF  }
0xbf: {  	[dreg:$0x0] =	wrdreg $0xFFFFFFFF;
	(pc) =	sbr.abs _section_cstart, $3  }
0xc0: {  	[dreg:$0x1] =	wrdreg $0xFFFFFFFF  }
0xc1: {  	_ =	task.clear_ibuf [dreg:s7], $0x2FFFF;
	_ =	strace $0x9FFFFFFF  }
0xc2: {  	(tm) =	ssettm $0x7FFFFFFF  }
0xc3: {  	_ =	shalt  }
tec
execute0_lowered:
.L_overlay_start_1:
0x0: {  	(tag) =	ssettag $0x1  }
0x1: {  	s1 =	rddreg [dreg:$0x0]  }
0x2: {  	s4 =	rddreg [dreg:$0x1]  }
0x3: {  	s3 =	srdreg.scid;
	s0 =	rddreg [dreg:$0x2];
	s2 =	simm.s32 $0x0  }
0x4: {  	v0 =	vlaneseq.u32;
	s8 =	simm.s32 $0x800;
	s9 =	simm.s32 $0x0;
	s5 =	sand.u32 $0x1, s3  }
0x5: {  	[smem:$0x7FF] =	sst s2;
	s3 =	stileid.u32;
	v1 =	vand.u32 $0x7, v0;
	s6 =	ssub.s32 $0x2, s5  }
0x6: {  	s4 =	sadd.s32 $0x400, s4;
	_ =	strace $0x80000047;
	v1 =	vmul.u32 $0xFFFFFFFF, v1;
	s7 =	sshrl.u32 s6, $0x1  }
0x7: {  	s31 =	sshll.u32 s3, $0x12;
	s5 =	sshll.u32 s5, $0x11;
	s6 =	ssub.s32 s6, s7  }
0x8: {  	v0 =	vshrl.u32 v0, $0x3;
	s5 =	sor.u32 s5, s31;
	s7 =	simm.s32 $0x1;
	v1 =	vadd.s32 $0x7, v1;
	s6 =	smax.u32 s6, $0x1  }
.LBB2_1:
0x9: {  	s10 =	simm.s32 $0x0  }
.LBB2_2:
0xa: {  	s11 =	sshll.u32 s10, $0xB  }
0xb: {  	s11 =	sadd.s32 s5, s11  }
0xc: {  	s13 =	simm.s32 $0x0;
	s12 =	sshrl.u32 s11, $0x3  }
0xd: {  	v2 =	vor.u32 s13, v0;
	s12 =	sadd.s32 s1, s12  }
0xe: {  	[tilespmem:s13], [sflag:$0x1] =	stream.linear.gather [hbm4b:s12+s13], $0x800, $0x38;
	[tilespmem:$0x4800] =	vst v63  }
0xf: {  	_ =	swait.ge [sflag:s7], $0x800  }
0x10: {  	[sflag:s7] =	ssyncset.done $0x0  }
0x11: {  	[sflag:s7] =	ssyncadd.s32 $0xFFFFF800  }
0x12: {  	v2 =	vld.idx.msk [tilespmem:v2+s2+$0x0], $0xffff;
	_ =	sdelay $0x3  }
0x13: {  	s24 =	simm.s32 $0x2  }
0x14: {  	v3 =	vor.u32 s24, v0;
	v2 =	vshrl.u32 v2, v1  }
0x15: {  	v2 =	vand.u32 $0x1, v2  }
0x16: {  	v2 =	vcvt.s32.f32 v2  }
0x17: {  	s12 =	simm.s32 $0x840  }
0x18: {  	[tilespmem:s12+$0xFFFFFFC0] =	vst v2  }
0x19: {  	v2 =	vld.idx.msk [tilespmem:v3+s2+$0x0], $0xffff;
	_ =	sdelay $0x3  }
0x1a: {  	s25 =	simm.s32 $0x4  }
0x1b: {  	v3 =	vor.u32 s25, v0;
	v2 =	vshrl.u32 v2, v1  }
0x1c: {  	v2 =	vand.u32 $0x1, v2  }
0x1d: {  	v2 =	vcvt.s32.f32 v2;
	_ =	sdelay $0x1  }
0x1e: {  	[tilespmem:s12+$0xFFFFFFD0] =	vst v2  }
0x1f: {  	v2 =	vld.idx.msk [tilespmem:v3+s2+$0x0], $0xffff;
	_ =	sdelay $0x3  }
0x20: {  	s26 =	simm.s32 $0x6  }
0x21: {  	v3 =	vor.u32 s26, v0;
	v2 =	vshrl.u32 v2, v1  }
0x22: {  	v2 =	vand.u32 $0x1, v2  }
0x23: {  	v2 =	vcvt.s32.f32 v2;
	_ =	sdelay $0x1  }
0x24: {  	[tilespmem:s12+$0xFFFFFFE0] =	vst v2  }
0x25: {  	v2 =	vld.idx.msk [tilespmem:v3+s2+$0x0], $0xffff;
	_ =	sdelay $0x3  }
0x26: {  	s28 =	simm.s32 $0x8  }
0x27: {  	v3 =	vor.u32 s28, v0;
	v2 =	vshrl.u32 v2, v1  }
0x28: {  	v2 =	vand.u32 $0x1, v2  }
0x29: {  	v2 =	vcvt.s32.f32 v2;
	_ =	sdelay $0x1  }
0x2a: {  	[tilespmem:s12+$0xFFFFFFF0] =	vst v2  }
0x2b: {  	v2 =	vld.idx.msk [tilespmem:v3+s2+$0x0], $0xffff;
	_ =	sdelay $0x3  }
0x2c: {  	s29 =	simm.s32 $0xA  }
0x2d: {  	v3 =	vor.u32 s29, v0;
	v2 =	vshrl.u32 v2, v1  }
0x2e: {  	v2 =	vand.u32 $0x1, v2  }
0x2f: {  	v2 =	vcvt.s32.f32 v2;
	_ =	sdelay $0x1  }
0x30: {  	[tilespmem:s12+$0x0] =	vst v2  }
0x31: {  	v2 =	vld.idx.msk [tilespmem:v3+s2+$0x0], $0xffff;
	_ =	sdelay $0x3  }
0x32: {  	s30 =	simm.s32 $0xC  }
0x33: {  	v3 =	vor.u32 s30, v0;
	v2 =	vshrl.u32 v2, v1  }
0x34: {  	v2 =	vand.u32 $0x1, v2  }
0x35: {  	v2 =	vcvt.s32.f32 v2;
	_ =	sdelay $0x1  }
0x36: {  	[tilespmem:s12+$0x10] =	vst v2  }
0x37: {  	v2 =	vld.idx.msk [tilespmem:v3+s2+$0x0], $0xffff;
	_ =	sdelay $0x3  }
0x38: {  	s31 =	simm.s32 $0xE  }
0x39: {  	v3 =	vor.u32 s31, v0;
	v2 =	vshrl.u32 v2, v1  }
0x3a: {  	v2 =	vand.u32 $0x1, v2  }
0x3b: {  	v2 =	vcvt.s32.f32 v2;
	_ =	sdelay $0x1  }
0x3c: {  	[tilespmem:s12+$0x20] =	vst v2  }
0x3d: {  	v2 =	vld.idx.msk [tilespmem:v3+s2+$0x0], $0xffff;
	_ =	sdelay $0x3  }
0x3e: {  	s14 =	simm.s32 $0x10;
	s13 =	simm.s32 $0x0  }
.LBB2_3:
0x3f: {  	v3 =	vor.u32 s14, v0;
	s13 =	sadd.s32 $0x8, s13;
	v2 =	vshrl.u32 v2, v1  }
0x40: {  	p0 =	slt.u32 s13, $0x3F8;
	v2 =	vand.u32 $0x1, v2  }
0x41: {  	v2 =	vcvt.s32.f32 v2;
	_ =	sdelay $0x1  }
0x42: {  	[tilespmem:s12+$0x30] =	vst v2  }
0x43: {  	v2 =	vld.idx.msk [tilespmem:v3+s2+$0x0], $0xffff;
	_ =	sdelay $0x4  }
0x44: {  	s15 =	sadd.s32 $0x2, s14  }
0x45: {  	v3 =	vor.u32 s15, v0;
	v2 =	vshrl.u32 v2, v1  }
0x46: {  	v2 =	vand.u32 $0x1, v2  }
0x47: {  	v2 =	vcvt.s32.f32 v2  }
0x48: {  	s12 =	sadd.s32 $0x80, s12  }
0x49: {  	[tilespmem:s12+$0xFFFFFFC0] =	vst v2  }
0x4a: {  	v2 =	vld.idx.msk [tilespmem:v3+s2+$0x0], $0xffff;
	_ =	sdelay $0x4  }
0x4b: {  	s15 =	sadd.s32 $0x4, s14  }
0x4c: {  	v3 =	vor.u32 s15, v0;
	v2 =	vshrl.u32 v2, v1  }
0x4d: {  	v2 =	vand.u32 $0x1, v2  }
0x4e: {  	v2 =	vcvt.s32.f32 v2;
	_ =	sdelay $0x1  }
0x4f: {  	[tilespmem:s12+$0xFFFFFFD0] =	vst v2  }
0x50: {  	v2 =	vld.idx.msk [tilespmem:v3+s2+$0x0], $0xffff;
	_ =	sdelay $0x4  }
0x51: {  	s15 =	sadd.s32 $0x6, s14  }
0x52: {  	v3 =	vor.u32 s15, v0;
	v2 =	vshrl.u32 v2, v1  }
0x53: {  	v2 =	vand.u32 $0x1, v2  }
0x54: {  	v2 =	vcvt.s32.f32 v2;
	_ =	sdelay $0x1  }
0x55: {  	[tilespmem:s12+$0xFFFFFFE0] =	vst v2  }
0x56: {  	v2 =	vld.idx.msk [tilespmem:v3+s2+$0x0], $0xffff;
	_ =	sdelay $0x4  }
0x57: {  	s15 =	sadd.s32 $0x8, s14  }
0x58: {  	v3 =	vor.u32 s15, v0;
	v2 =	vshrl.u32 v2, v1  }
0x59: {  	v2 =	vand.u32 $0x1, v2  }
0x5a: {  	v2 =	vcvt.s32.f32 v2;
	_ =	sdelay $0x1  }
0x5b: {  	[tilespmem:s12+$0xFFFFFFF0] =	vst v2  }
0x5c: {  	v2 =	vld.idx.msk [tilespmem:v3+s2+$0x0], $0xffff;
	_ =	sdelay $0x4  }
0x5d: {  	s15 =	sadd.s32 $0xA, s14  }
0x5e: {  	v3 =	vor.u32 s15, v0;
	v2 =	vshrl.u32 v2, v1  }
0x5f: {  	v2 =	vand.u32 $0x1, v2  }
0x60: {  	v2 =	vcvt.s32.f32 v2;
	_ =	sdelay $0x1  }
0x61: {  	[tilespmem:s12+$0x0] =	vst v2  }
0x62: {  	v2 =	vld.idx.msk [tilespmem:v3+s2+$0x0], $0xffff;
	_ =	sdelay $0x4  }
0x63: {  	s15 =	sadd.s32 $0xC, s14  }
0x64: {  	v3 =	vor.u32 s15, v0;
	v2 =	vshrl.u32 v2, v1  }
0x65: {  	v2 =	vand.u32 $0x1, v2  }
0x66: {  	v2 =	vcvt.s32.f32 v2;
	_ =	sdelay $0x1  }
0x67: {  	[tilespmem:s12+$0x10] =	vst v2  }
0x68: {  	v2 =	vld.idx.msk [tilespmem:v3+s2+$0x0], $0xffff;
	_ =	sdelay $0x4  }
0x69: {  	s15 =	sadd.s32 $0xE, s14  }
0x6a: {  	v3 =	vor.u32 s15, v0;
	v2 =	vshrl.u32 v2, v1  }
0x6b: {  	v2 =	vand.u32 $0x1, v2  }
0x6c: {  	v2 =	vcvt.s32.f32 v2;
	_ =	sdelay $0x1  }
0x6d: {  	[tilespmem:s12+$0x20] =	vst v2  }
0x6e: {  	v2 =	vld.idx.msk [tilespmem:v3+s2+$0x0], $0xffff  }
.Ltmp0:
0x6f: {  	(pc) =	sbr.rel @p0 .LBB2_3-.Ltmp0, $2  }
0x70: {  	_ =	sdelay $0x2  }
0x71: {  	s14 =	sadd.s32 $0x10, s14  }
0x72: {  	v2 =	vshrl.u32 v2, v1  }
0x73: {  	v2 =	vand.u32 $0x1, v2  }
0x74: {  	s10 =	sadd.s32 $0x1, s10;
	v2 =	vcvt.s32.f32 v2  }
0x75: {  	p0 =	sne.s32 s10, $0x40  }
.Ltmp1:
0x76: {  	s11 =	sadd.s32 s4, s11;
	[tilespmem:s12+$0x30] =	vst v2;
	(pc) =	sbr.rel @p0 .LBB2_2-.Ltmp1, $4  }
0x77: {  	[hbm4b:s11+s2] =	stream.linear.scatter [tilespmem:s8], [sflag:$0x1], $0x4000, $0x38;
	[tilespmem:$0x4800] =	vst v63  }
0x78: {  	_ =	swait.ge [sflag:s7], $0x4000  }
0x79: {  	[sflag:s7] =	ssyncset.done $0x0  }
0x7a: {  	[sflag:s7] =	ssyncadd.s32 $0xFFFFC000  }
0x7b: {  	s9 =	sadd.s32 $0x1, s9  }
0x7c: {  	p0 =	sne.s32 s9, s6  }
.Ltmp2:
0x7d: {  	_ = 	snop;
	(pc) =	sbr.rel @p0 .LBB2_1-.Ltmp2, $1  }
0x7e: {  	_ =	sdelay $0x3  }
0x7f: {  	_ =	sfence.sel $0x180000  }
0x80: {  	[bflag:$0x0] =	sbarrier.arrive $0xFFFF  }
0x81: {  	p0 =	sne.s32 s3, $0x0;
	_ =	strace $0x90000047  }
0x82: {  	s0 =	sadd.s32 @!p0 $0x100000, s0;
	[bflag:$0x2] =	sbarrier.arrive $0xFFFF  }
0x83: {  	[sflag:s0] =	ssyncadd.tile.s32 @!p0 $0x1;
	_ =	shalt  }
.Lfunc_end2:
_tile_overlayer_lowered:
.L_overlay_start_2:
0x84: {  	(tag) =	ssettag $0x2  }
0x85: {  	s0 =	rddreg [dreg:$0x0];
	s2 =	stileid.u32  }
0x86: {  	s1 =	rddreg [dreg:$0x1];
	p0 =	sne.s32 s2, $0x0  }
0x87: {  	s3 =	rddreg [dreg:$0x2];
	[bflag:$0x3] =	sbarrier.arrive $0xFFFF;
	s2 =	simm.s32 @!p0 $0x1C01  }
0x88: {  	[timem:s3], [sflag:s2] =	dma.local @!p0 [hbm:s0], s1  }
0x89: {  	s0 =	simm.s32 @!p0 $0x1  }
0x8a: {  	_ =	swait.ge @!p0 [sflag:s0], s1  }
0x8b: {  	s1 =	ssub.s32 @!p0 $0x0, s1;
	[sflag:s0] =	ssyncset.done @!p0 $0x0  }
0x8c: {  	[sflag:s0] =	ssyncadd.s32 @!p0 s1  }
0x8d: {  	[bflag:$0x3] =	sbarrier.arrive $0xFFFF  }
0x8e: {  	_ =	shalt  }

</sc_bundles>
